<compile_context>
chip_gen: v7x
topology: tpu7x:2x2x1
jax: 0.10.2.dev20260603
libtpu: 0.0.44.dev20260713+nightly
codegen_flags: <defaults>
</compile_context>

<pallas_src>
import functools

import jax
import jax.numpy as jnp
from jax import lax
from jax.experimental import pallas as pl
from jax.experimental.pallas import tpu as pltpu
from jax.experimental.pallas import tpu_sc as plsc

N_NODES = 10000
EMBED_DIM = 128
N_EDGES = 320000

NC = 2
NS = 16
NW = NC * NS

EPW = N_EDGES // NW
CHUNK = 128
NCH = (EPW + CHUNK - 1) // CHUNK
PAD_ROW = N_NODES
ACC_ROWS = 10112
RPS = ACC_ROWS // NS
ZROWS = 64


def _sc_aggregate(emb, dst3, src3, zrows):
    mesh = plsc.VectorSubcoreMesh(core_axis_name="c", subcore_axis_name="s")

    @functools.partial(
        pl.kernel,
        mesh=mesh,
        out_type=jax.ShapeDtypeStruct((NC, ACC_ROWS, EMBED_DIM), jnp.float32),
        scratch_types=[
            pltpu.VMEM((NCH, CHUNK), jnp.int32),
            pltpu.VMEM((NCH, CHUNK), jnp.int32),
            pltpu.VMEM((CHUNK, EMBED_DIM), jnp.float32),
            pltpu.VMEM((ZROWS, EMBED_DIM), jnp.float32),
            pltpu.VMEM_SHARED((ACC_ROWS, EMBED_DIM), jnp.float32),
            pltpu.SemaphoreType.DMA,
        ],
    )
    def agg_kernel(emb_hbm, dst_hbm, src_hbm, z_hbm, out_hbm,
                   dst_v, src_v, rows_v, zbuf, acc, sem):
        cid = lax.axis_index("c")
        sid = lax.axis_index("s")
        wid = cid * NS + sid
        rem = RPS - (RPS // ZROWS) * ZROWS

        pltpu.sync_copy(z_hbm, zbuf)

        def zero_body(t, carry):
            pltpu.sync_copy(zbuf, acc.at[pl.ds(sid * RPS + t * ZROWS, ZROWS)])
            return carry

        lax.fori_loop(0, RPS // ZROWS, zero_body, 0)
        pltpu.sync_copy(
            zbuf.at[pl.ds(0, rem)],
            acc.at[pl.ds(sid * RPS + RPS - rem, rem)])

        pltpu.sync_copy(dst_hbm.at[wid], dst_v)
        pltpu.sync_copy(src_hbm.at[wid], src_v)

        plsc.subcore_barrier()

        def body(j, carry):
            pltpu.async_copy(emb_hbm.at[src_v.at[j]], rows_v, sem).wait()
            pltpu.sync_copy(rows_v, acc.at[dst_v.at[j]], add=True)
            return carry

        lax.fori_loop(0, NCH, body, 0)

        plsc.subcore_barrier()

        def out_body(t, carry):
            r = sid * RPS + t * ZROWS
            pltpu.sync_copy(acc.at[pl.ds(r, ZROWS)], zbuf)
            pltpu.sync_copy(zbuf, out_hbm.at[cid, pl.ds(r, ZROWS)])
            return carry

        lax.fori_loop(0, RPS // ZROWS, out_body, 0)
        ro = sid * RPS + RPS - rem
        pltpu.sync_copy(acc.at[pl.ds(ro, rem)], zbuf.at[pl.ds(0, rem)])
        pltpu.sync_copy(zbuf.at[pl.ds(0, rem)], out_hbm.at[cid, pl.ds(ro, rem)])

    return agg_kernel(emb, dst3, src3, zrows)


def _tc_body(emb_ref, p_ref, wt_ref, b_ref, g_ref, bt_ref, o_ref):
    agg = p_ref[0] + p_ref[1]
    x = (
        jnp.dot(emb_ref[...], wt_ref[:EMBED_DIM, :],
                preferred_element_type=jnp.float32)
        + jnp.dot(agg, wt_ref[EMBED_DIM:, :],
                  preferred_element_type=jnp.float32)
        + b_ref[...]
    )
    mean = jnp.mean(x, axis=1, keepdims=True)
    xc = x - mean
    var = jnp.mean(xc * xc, axis=1, keepdims=True)
    o_ref[...] = (xc * lax.rsqrt(var + 1e-5)) * g_ref[...] + bt_ref[...]


def _tc_project(emb, partials, wt, b, gamma, beta):
    rows_per_block = 400
    grid = (N_NODES // rows_per_block,)
    return pl.pallas_call(
        _tc_body,
        grid=grid,
        in_specs=[
            pl.BlockSpec((rows_per_block, EMBED_DIM), lambda j: (j, 0)),
            pl.BlockSpec((NC, rows_per_block, EMBED_DIM), lambda j: (0, j, 0)),
            pl.BlockSpec((2 * EMBED_DIM, EMBED_DIM), lambda j: (0, 0)),
            pl.BlockSpec((1, EMBED_DIM), lambda j: (0, 0)),
            pl.BlockSpec((1, EMBED_DIM), lambda j: (0, 0)),
            pl.BlockSpec((1, EMBED_DIM), lambda j: (0, 0)),
        ],
        out_specs=pl.BlockSpec((rows_per_block, EMBED_DIM), lambda j: (j, 0)),
        out_shape=jax.ShapeDtypeStruct((N_NODES, EMBED_DIM), jnp.float32),
    )(emb, partials, wt, b, gamma, beta)


def kernel(emb, edges, W, b, ln_gamma, ln_beta):
    dst = edges[0].astype(jnp.int32).reshape(NW, EPW)
    src = edges[1].astype(jnp.int32).reshape(NW, EPW)
    pad = NCH * CHUNK - EPW
    dst3 = jnp.pad(dst, ((0, 0), (0, pad)),
                   constant_values=PAD_ROW).reshape(NW, NCH, CHUNK)
    src3 = jnp.pad(src, ((0, 0), (0, pad)),
                   constant_values=0).reshape(NW, NCH, CHUNK)
    zrows = jnp.zeros((ZROWS, EMBED_DIM), jnp.float32)

    partials = _sc_aggregate(emb, dst3, src3, zrows)

    wt = W.T
    return _tc_project(
        emb, partials, wt,
        b.reshape(1, EMBED_DIM),
        ln_gamma.reshape(1, EMBED_DIM),
        ln_beta.reshape(1, EMBED_DIM),
    )

# --- scband reference (transcript-rebuilt; emitter-appended) ---
"""Pipeline reference for scband-gcnlayer-42949673129 (READ-ONLY COPY).

The authoritative reference and input builder live on the scoring server;
editing this copy changes nothing except your own understanding.
"""

import jax, jax.numpy as jnp
import numpy as np

N_NODES = 10000
N_EDGES = 320000
EMBED_DIM = 128

def setup_inputs(seed: int = 0) -> dict:
    key = jax.random.key(seed)
    k_emb, k_edge, k_w, k_b = jax.random.split(key, 4)
    emb = jax.random.normal(k_emb, (N_NODES, EMBED_DIM), dtype=jnp.float32)
    edges = jax.random.randint(k_edge, (2, N_EDGES), 0, N_NODES, dtype=jnp.int64)
    std = 1.0 / np.sqrt(EMBED_DIM)
    W = jax.random.uniform(k_w, (EMBED_DIM, 2 * EMBED_DIM), dtype=jnp.float32, minval=-std, maxval=std)
    b = jnp.zeros((EMBED_DIM,), dtype=jnp.float32)
    ln_gamma = jnp.ones((EMBED_DIM,), dtype=jnp.float32)
    ln_beta = jnp.zeros((EMBED_DIM,), dtype=jnp.float32)
    return {"emb": emb, "edges": edges, "W": W, "b": b, "ln_gamma": ln_gamma, "ln_beta": ln_beta}

def reference(emb, edges, W, b, ln_gamma, ln_beta):
    # aggregate_way == 'sum':
    # torch.sparse_coo_tensor(edges, ones, [N, N]) @ emb
    #   => out[r] = sum over e with edges[0,e]==r of emb[edges[1,e]]
    bsz = emb.shape[0]
    gathered = jnp.take(emb, edges[1], axis=0)          # gather (SparseCore)
    aggregations = jax.ops.segment_sum(gathered, edges[0], num_segments=bsz)  # scatter-add
    x = jnp.concatenate([emb, aggregations], axis=-1)
    x = x @ W.T + b
    # LayerNorm (eps=1e-5, elementwise affine)
    mean = jnp.mean(x, axis=-1, keepdims=True)
    var = jnp.var(x, axis=-1, keepdims=True)
    x = (x - mean) / jnp.sqrt(var + 1e-5)
    x = x * ln_gamma + ln_beta
    return x

if __name__ == "__main__":
    import jax
    _d = setup_inputs()
    print(jax.jit(kernel)(*tuple(_d.values())))

</pallas_src>

<mosaic_0001>
#map = affine_map<(d0, d1) -> (0, 0)>
#map1 = affine_map<(d0, d1) -> (0, 0, 0)>
module attributes {stable_mosaic.version = 14 : i64} {
  func.func @agg_kernel(%arg0: i32, %arg1: i32, %arg2: memref<10000x128xf32, #tpu.memory_space<hbm>>, %arg3: memref<32x79x128xi32, #tpu.memory_space<hbm>>, %arg4: memref<32x79x128xi32, #tpu.memory_space<hbm>>, %arg5: memref<64x128xf32, #tpu.memory_space<hbm>>, %arg6: memref<2x10112x128xf32, #tpu.memory_space<hbm>>, %arg7: memref<79x128xi32, #tpu.memory_space<vmem>>, %arg8: memref<79x128xi32, #tpu.memory_space<vmem>>, %arg9: memref<128x128xf32, #tpu.memory_space<vmem>>, %arg10: memref<64x128xf32, #tpu.memory_space<vmem>>, %arg11: memref<10112x128xf32, #tpu.memory_space<vmem_shared>>, %arg12: memref<!tpu.dma_semaphore, #tpu.memory_space<semaphore_mem>>) attributes {dimension_semantics = [#tpu.dimension_semantics<core_parallel>, #tpu.dimension_semantics<subcore_parallel>], iteration_bounds = array<i64: 2, 16>, scalar_prefetch = 0 : i64, scratch_operands = 6 : i64, tpu.core_type = #tpu.core_type<sc_vector_subcore>, window_params = [{transform_indices = #map}, {transform_indices = #map1}, {transform_indices = #map1}, {transform_indices = #map}, {transform_indices = #map1}]} {
    %mul3A = arith.constant 16 : i32
    %mul3A_0 = arith.muli %arg0, %mul3A : i32
    %add3A = arith.addi %mul3A_0, %arg1 : i32
    "tpu.region"() ({
      %run_scoped3A = tpu.sem_alloc : memref<!tpu.dma_semaphore, #tpu.memory_space<semaphore_mem>>
      tpu.enqueue_dma source(%arg5 : memref<64x128xf32, #tpu.memory_space<hbm>>) target(%arg10 : memref<64x128xf32, #tpu.memory_space<vmem>>) target_semaphore(%run_scoped3A : memref<!tpu.dma_semaphore, #tpu.memory_space<semaphore_mem>>)
      tpu.wait_dma2 semaphore(%run_scoped3A : memref<!tpu.dma_semaphore, #tpu.memory_space<semaphore_mem>>) src(%arg5 : memref<64x128xf32, #tpu.memory_space<hbm>>) dst(%arg10 : memref<64x128xf32, #tpu.memory_space<vmem>>)
      tpu.yield
    }) : () -> ()
    %scan3A = arith.constant 0 : i32
    %scan3A_1 = arith.constant 0 : i32
    %scan3A_2 = arith.constant 9 : i32
    %scan3A_3 = arith.addi %scan3A_1, %scan3A_2 : i32
    %scan3A_4 = arith.constant 1 : i32
    scf.for %scan3A_30 = %scan3A_1 to %scan3A_3 step %scan3A_4  : i32 {
      %mul3A_31 = arith.constant 632 : i32
      %mul3A_32 = arith.muli %arg1, %mul3A_31 : i32
      %mul3A_33 = arith.constant 64 : i32
      %mul3A_34 = arith.muli %scan3A_30, %mul3A_33 : i32
      %add3A_35 = arith.addi %mul3A_32, %mul3A_34 : i32
      "tpu.region"() ({
        %run_scoped3A = tpu.sem_alloc : memref<!tpu.dma_semaphore, #tpu.memory_space<semaphore_mem>>
        %dma_start3A = arith.constant 0 : i32
        %dma_start3A_36 = tpu.memref_slice %arg11[%add3A_35, %dma_start3A] : memref<10112x128xf32, #tpu.memory_space<vmem_shared>> -> memref<64x128xf32, #tpu.memory_space<vmem_shared>>
        %dma_start3A_37 = arith.constant 0 : i32
        %dma_start3A_38 = tpu.memref_slice %arg11[%add3A_35, %dma_start3A_37] : memref<10112x128xf32, #tpu.memory_space<vmem_shared>> -> memref<64x128xf32, #tpu.memory_space<vmem_shared>>
        tpu.enqueue_dma source(%arg10 : memref<64x128xf32, #tpu.memory_space<vmem>>) target(%dma_start3A_38 : memref<64x128xf32, #tpu.memory_space<vmem_shared>>) target_semaphore(%run_scoped3A : memref<!tpu.dma_semaphore, #tpu.memory_space<semaphore_mem>>)
        %dma_wait3A = arith.constant 0 : i32
        %dma_wait3A_39 = tpu.memref_slice %arg11[%add3A_35, %dma_wait3A] : memref<10112x128xf32, #tpu.memory_space<vmem_shared>> -> memref<64x128xf32, #tpu.memory_space<vmem_shared>>
        %dma_wait3A_40 = arith.constant 0 : i32
        %dma_wait3A_41 = tpu.memref_slice %arg11[%add3A_35, %dma_wait3A_40] : memref<10112x128xf32, #tpu.memory_space<vmem_shared>> -> memref<64x128xf32, #tpu.memory_space<vmem_shared>>
        tpu.wait_dma2 semaphore(%run_scoped3A : memref<!tpu.dma_semaphore, #tpu.memory_space<semaphore_mem>>) src(%arg10 : memref<64x128xf32, #tpu.memory_space<vmem>>) dst(%dma_wait3A_41 : memref<64x128xf32, #tpu.memory_space<vmem_shared>>)
        tpu.yield
      }) : () -> ()
    }
    %scan3A_5 = arith.constant 9 : i32
    %mul3A_6 = arith.constant 632 : i32
    %mul3A_7 = arith.muli %arg1, %mul3A_6 : i32
    %add3A_8 = arith.constant 632 : i32
    %add3A_9 = arith.addi %mul3A_7, %add3A_8 : i32
    %sub3A = arith.constant 56 : i32
    %sub3A_10 = arith.subi %add3A_9, %sub3A : i32
    "tpu.region"() ({
      %run_scoped3A = tpu.sem_alloc : memref<!tpu.dma_semaphore, #tpu.memory_space<semaphore_mem>>
      %dma_start3A = arith.constant 0 : i32
      %dma_start3A_30 = arith.constant 0 : i32
      %dma_start3A_31 = tpu.memref_slice %arg10[%dma_start3A, %dma_start3A_30] : memref<64x128xf32, #tpu.memory_space<vmem>> -> memref<56x128xf32, #tpu.memory_space<vmem>>
      %dma_start3A_32 = arith.constant 0 : i32
      %dma_start3A_33 = tpu.memref_slice %arg11[%sub3A_10, %dma_start3A_32] : memref<10112x128xf32, #tpu.memory_space<vmem_shared>> -> memref<56x128xf32, #tpu.memory_space<vmem_shared>>
      %dma_start3A_34 = arith.constant 0 : i32
      %dma_start3A_35 = tpu.memref_slice %arg11[%sub3A_10, %dma_start3A_34] : memref<10112x128xf32, #tpu.memory_space<vmem_shared>> -> memref<56x128xf32, #tpu.memory_space<vmem_shared>>
      %dma_start3A_36 = arith.constant 0 : i32
      %dma_start3A_37 = arith.constant 0 : i32
      %dma_start3A_38 = tpu.memref_slice %arg10[%dma_start3A_36, %dma_start3A_37] : memref<64x128xf32, #tpu.memory_space<vmem>> -> memref<56x128xf32, #tpu.memory_space<vmem>>
      tpu.enqueue_dma source(%dma_start3A_38 : memref<56x128xf32, #tpu.memory_space<vmem>>) target(%dma_start3A_35 : memref<56x128xf32, #tpu.memory_space<vmem_shared>>) target_semaphore(%run_scoped3A : memref<!tpu.dma_semaphore, #tpu.memory_space<semaphore_mem>>)
      %dma_wait3A = arith.constant 0 : i32
      %dma_wait3A_39 = arith.constant 0 : i32
      %dma_wait3A_40 = tpu.memref_slice %arg10[%dma_wait3A, %dma_wait3A_39] : memref<64x128xf32, #tpu.memory_space<vmem>> -> memref<56x128xf32, #tpu.memory_space<vmem>>
      %dma_wait3A_41 = arith.constant 0 : i32
      %dma_wait3A_42 = tpu.memref_slice %arg11[%sub3A_10, %dma_wait3A_41] : memref<10112x128xf32, #tpu.memory_space<vmem_shared>> -> memref<56x128xf32, #tpu.memory_space<vmem_shared>>
      %dma_wait3A_43 = arith.constant 0 : i32
      %dma_wait3A_44 = tpu.memref_slice %arg11[%sub3A_10, %dma_wait3A_43] : memref<10112x128xf32, #tpu.memory_space<vmem_shared>> -> memref<56x128xf32, #tpu.memory_space<vmem_shared>>
      %dma_wait3A_45 = arith.constant 0 : i32
      %dma_wait3A_46 = arith.constant 0 : i32
      %dma_wait3A_47 = tpu.memref_slice %arg10[%dma_wait3A_45, %dma_wait3A_46] : memref<64x128xf32, #tpu.memory_space<vmem>> -> memref<56x128xf32, #tpu.memory_space<vmem>>
      tpu.wait_dma2 semaphore(%run_scoped3A : memref<!tpu.dma_semaphore, #tpu.memory_space<semaphore_mem>>) src(%dma_wait3A_47 : memref<56x128xf32, #tpu.memory_space<vmem>>) dst(%dma_wait3A_44 : memref<56x128xf32, #tpu.memory_space<vmem_shared>>)
      tpu.yield
    }) : () -> ()
    "tpu.region"() ({
      %run_scoped3A = tpu.sem_alloc : memref<!tpu.dma_semaphore, #tpu.memory_space<semaphore_mem>>
      %dma_start3A = arith.constant 0 : i32
      %dma_start3A_30 = arith.constant 0 : i32
      %dma_start3A_31 = tpu.memref_slice %arg3[%add3A, %dma_start3A, %dma_start3A_30] : memref<32x79x128xi32, #tpu.memory_space<hbm>> -> memref<1x79x128xi32, #tpu.memory_space<hbm>>
      %dma_start3A_32 = tpu.memref_squeeze %dma_start3A_31 : memref<1x79x128xi32, #tpu.memory_space<hbm>> -> memref<79x128xi32, #tpu.memory_space<hbm>>
      %dma_start3A_33 = arith.constant 0 : i32
      %dma_start3A_34 = arith.constant 0 : i32
      %dma_start3A_35 = tpu.memref_slice %arg3[%add3A, %dma_start3A_33, %dma_start3A_34] : memref<32x79x128xi32, #tpu.memory_space<hbm>> -> memref<1x79x128xi32, #tpu.memory_space<hbm>>
      %dma_start3A_36 = tpu.memref_squeeze %dma_start3A_35 : memref<1x79x128xi32, #tpu.memory_space<hbm>> -> memref<79x128xi32, #tpu.memory_space<hbm>>
      tpu.enqueue_dma source(%dma_start3A_36 : memref<79x128xi32, #tpu.memory_space<hbm>>) target(%arg7 : memref<79x128xi32, #tpu.memory_space<vmem>>) target_semaphore(%run_scoped3A : memref<!tpu.dma_semaphore, #tpu.memory_space<semaphore_mem>>)
      %dma_wait3A = arith.constant 0 : i32
      %dma_wait3A_37 = arith.constant 0 : i32
      %dma_wait3A_38 = tpu.memref_slice %arg3[%add3A, %dma_wait3A, %dma_wait3A_37] : memref<32x79x128xi32, #tpu.memory_space<hbm>> -> memref<1x79x128xi32, #tpu.memory_space<hbm>>
      %dma_wait3A_39 = tpu.memref_squeeze %dma_wait3A_38 : memref<1x79x128xi32, #tpu.memory_space<hbm>> -> memref<79x128xi32, #tpu.memory_space<hbm>>
      %dma_wait3A_40 = arith.constant 0 : i32
      %dma_wait3A_41 = arith.constant 0 : i32
      %dma_wait3A_42 = tpu.memref_slice %arg3[%add3A, %dma_wait3A_40, %dma_wait3A_41] : memref<32x79x128xi32, #tpu.memory_space<hbm>> -> memref<1x79x128xi32, #tpu.memory_space<hbm>>
      %dma_wait3A_43 = tpu.memref_squeeze %dma_wait3A_42 : memref<1x79x128xi32, #tpu.memory_space<hbm>> -> memref<79x128xi32, #tpu.memory_space<hbm>>
      tpu.wait_dma2 semaphore(%run_scoped3A : memref<!tpu.dma_semaphore, #tpu.memory_space<semaphore_mem>>) src(%dma_wait3A_43 : memref<79x128xi32, #tpu.memory_space<hbm>>) dst(%arg7 : memref<79x128xi32, #tpu.memory_space<vmem>>)
      tpu.yield
    }) : () -> ()
    "tpu.region"() ({
      %run_scoped3A = tpu.sem_alloc : memref<!tpu.dma_semaphore, #tpu.memory_space<semaphore_mem>>
      %dma_start3A = arith.constant 0 : i32
      %dma_start3A_30 = arith.constant 0 : i32
      %dma_start3A_31 = tpu.memref_slice %arg4[%add3A, %dma_start3A, %dma_start3A_30] : memref<32x79x128xi32, #tpu.memory_space<hbm>> -> memref<1x79x128xi32, #tpu.memory_space<hbm>>
      %dma_start3A_32 = tpu.memref_squeeze %dma_start3A_31 : memref<1x79x128xi32, #tpu.memory_space<hbm>> -> memref<79x128xi32, #tpu.memory_space<hbm>>
      %dma_start3A_33 = arith.constant 0 : i32
      %dma_start3A_34 = arith.constant 0 : i32
      %dma_start3A_35 = tpu.memref_slice %arg4[%add3A, %dma_start3A_33, %dma_start3A_34] : memref<32x79x128xi32, #tpu.memory_space<hbm>> -> memref<1x79x128xi32, #tpu.memory_space<hbm>>
      %dma_start3A_36 = tpu.memref_squeeze %dma_start3A_35 : memref<1x79x128xi32, #tpu.memory_space<hbm>> -> memref<79x128xi32, #tpu.memory_space<hbm>>
      tpu.enqueue_dma source(%dma_start3A_36 : memref<79x128xi32, #tpu.memory_space<hbm>>) target(%arg8 : memref<79x128xi32, #tpu.memory_space<vmem>>) target_semaphore(%run_scoped3A : memref<!tpu.dma_semaphore, #tpu.memory_space<semaphore_mem>>)
      %dma_wait3A = arith.constant 0 : i32
      %dma_wait3A_37 = arith.constant 0 : i32
      %dma_wait3A_38 = tpu.memref_slice %arg4[%add3A, %dma_wait3A, %dma_wait3A_37] : memref<32x79x128xi32, #tpu.memory_space<hbm>> -> memref<1x79x128xi32, #tpu.memory_space<hbm>>
      %dma_wait3A_39 = tpu.memref_squeeze %dma_wait3A_38 : memref<1x79x128xi32, #tpu.memory_space<hbm>> -> memref<79x128xi32, #tpu.memory_space<hbm>>
      %dma_wait3A_40 = arith.constant 0 : i32
      %dma_wait3A_41 = arith.constant 0 : i32
      %dma_wait3A_42 = tpu.memref_slice %arg4[%add3A, %dma_wait3A_40, %dma_wait3A_41] : memref<32x79x128xi32, #tpu.memory_space<hbm>> -> memref<1x79x128xi32, #tpu.memory_space<hbm>>
      %dma_wait3A_43 = tpu.memref_squeeze %dma_wait3A_42 : memref<1x79x128xi32, #tpu.memory_space<hbm>> -> memref<79x128xi32, #tpu.memory_space<hbm>>
      tpu.wait_dma2 semaphore(%run_scoped3A : memref<!tpu.dma_semaphore, #tpu.memory_space<semaphore_mem>>) src(%dma_wait3A_43 : memref<79x128xi32, #tpu.memory_space<hbm>>) dst(%arg8 : memref<79x128xi32, #tpu.memory_space<vmem>>)
      tpu.yield
    }) : () -> ()
    %barrier3A = arith.constant 0 : index
    tpu.barrier barrier_id(%barrier3A)
    %scan3A_11 = arith.constant 0 : i32
    %scan3A_12 = arith.constant 0 : i32
    %scan3A_13 = arith.constant 79 : i32
    %scan3A_14 = arith.addi %scan3A_12, %scan3A_13 : i32
    %scan3A_15 = arith.constant 1 : i32
    scf.for %scan3A_30 = %scan3A_12 to %scan3A_14 step %scan3A_15  : i32 {
      %dma_start3A = arith.constant 0 : i32
      %dma_start3A_31 = tpu.memref_slice %arg8[%scan3A_30, %dma_start3A] : memref<79x128xi32, #tpu.memory_space<vmem>> -> memref<1x128xi32, #tpu.memory_space<vmem>>
      %dma_start3A_32 = tpu.memref_squeeze %dma_start3A_31 : memref<1x128xi32, #tpu.memory_space<vmem>> -> memref<128xi32, #tpu.memory_space<vmem>>
      %dma_start3A_33 = arith.constant 0 : i32
      %dma_start3A_34 = arith.constant 0 : i32
      %dma_start3A_35 = tpu.memref_slice %arg2[%dma_start3A_33, %dma_start3A_34] : memref<10000x128xf32, #tpu.memory_space<hbm>> -> memref<10000x128xf32, #tpu.memory_space<hbm>>
      tpu.enqueue_indirect_dma source(%dma_start3A_35 : memref<10000x128xf32, #tpu.memory_space<hbm>>) target(%arg9 : memref<128x128xf32, #tpu.memory_space<vmem>>) offsets(%dma_start3A_32 : memref<128xi32, #tpu.memory_space<vmem>>) semaphore(%arg12 : memref<!tpu.dma_semaphore, #tpu.memory_space<semaphore_mem>>)
      %dma_wait3A = arith.constant 0 : i32
      %dma_wait3A_36 = tpu.memref_slice %arg8[%scan3A_30, %dma_wait3A] : memref<79x128xi32, #tpu.memory_space<vmem>> -> memref<1x128xi32, #tpu.memory_space<vmem>>
      %dma_wait3A_37 = tpu.memref_squeeze %dma_wait3A_36 : memref<1x128xi32, #tpu.memory_space<vmem>> -> memref<128xi32, #tpu.memory_space<vmem>>
      %dma_wait3A_38 = arith.constant 0 : i32
      %dma_wait3A_39 = arith.constant 0 : i32
      %dma_wait3A_40 = tpu.memref_slice %arg2[%dma_wait3A_38, %dma_wait3A_39] : memref<10000x128xf32, #tpu.memory_space<hbm>> -> memref<10000x128xf32, #tpu.memory_space<hbm>>
      tpu.wait_indirect_dma semaphore(%arg12 : memref<!tpu.dma_semaphore, #tpu.memory_space<semaphore_mem>>) src(%dma_wait3A_40 : memref<10000x128xf32, #tpu.memory_space<hbm>>) dst(%arg9 : memref<128x128xf32, #tpu.memory_space<vmem>>)
      "tpu.region"() ({
        %run_scoped3A = tpu.sem_alloc : memref<!tpu.dma_semaphore, #tpu.memory_space<semaphore_mem>>
        %dma_start3A_41 = arith.constant 0 : i32
        %dma_start3A_42 = tpu.memref_slice %arg7[%scan3A_30, %dma_start3A_41] : memref<79x128xi32, #tpu.memory_space<vmem>> -> memref<1x128xi32, #tpu.memory_space<vmem>>
        %dma_start3A_43 = tpu.memref_squeeze %dma_start3A_42 : memref<1x128xi32, #tpu.memory_space<vmem>> -> memref<128xi32, #tpu.memory_space<vmem>>
        %dma_start3A_44 = arith.constant 0 : i32
        %dma_start3A_45 = arith.constant 0 : i32
        %dma_start3A_46 = tpu.memref_slice %arg11[%dma_start3A_44, %dma_start3A_45] : memref<10112x128xf32, #tpu.memory_space<vmem_shared>> -> memref<10112x128xf32, #tpu.memory_space<vmem_shared>>
        tpu.enqueue_indirect_dma source(%arg9 : memref<128x128xf32, #tpu.memory_space<vmem>>) target(%dma_start3A_46 : memref<10112x128xf32, #tpu.memory_space<vmem_shared>>) offsets(%dma_start3A_43 : memref<128xi32, #tpu.memory_space<vmem>>) semaphore(%run_scoped3A : memref<!tpu.dma_semaphore, #tpu.memory_space<semaphore_mem>>) {add = true}
        %dma_wait3A_47 = arith.constant 0 : i32
        %dma_wait3A_48 = tpu.memref_slice %arg7[%scan3A_30, %dma_wait3A_47] : memref<79x128xi32, #tpu.memory_space<vmem>> -> memref<1x128xi32, #tpu.memory_space<vmem>>
        %dma_wait3A_49 = tpu.memref_squeeze %dma_wait3A_48 : memref<1x128xi32, #tpu.memory_space<vmem>> -> memref<128xi32, #tpu.memory_space<vmem>>
        %dma_wait3A_50 = arith.constant 0 : i32
        %dma_wait3A_51 = arith.constant 0 : i32
        %dma_wait3A_52 = tpu.memref_slice %arg11[%dma_wait3A_50, %dma_wait3A_51] : memref<10112x128xf32, #tpu.memory_space<vmem_shared>> -> memref<10112x128xf32, #tpu.memory_space<vmem_shared>>
        tpu.wait_indirect_dma semaphore(%run_scoped3A : memref<!tpu.dma_semaphore, #tpu.memory_space<semaphore_mem>>) src(%arg9 : memref<128x128xf32, #tpu.memory_space<vmem>>) dst(%dma_wait3A_52 : memref<10112x128xf32, #tpu.memory_space<vmem_shared>>)
        tpu.yield
      }) : () -> ()
    }
    %scan3A_16 = arith.constant 79 : i32
    %barrier3A_17 = arith.constant 0 : index
    tpu.barrier barrier_id(%barrier3A_17)
    %scan3A_18 = arith.constant 0 : i32
    %scan3A_19 = arith.constant 0 : i32
    %scan3A_20 = arith.constant 9 : i32
    %scan3A_21 = arith.addi %scan3A_19, %scan3A_20 : i32
    %scan3A_22 = arith.constant 1 : i32
    scf.for %scan3A_30 = %scan3A_19 to %scan3A_21 step %scan3A_22  : i32 {
      %mul3A_31 = arith.constant 632 : i32
      %mul3A_32 = arith.muli %arg1, %mul3A_31 : i32
      %mul3A_33 = arith.constant 64 : i32
      %mul3A_34 = arith.muli %scan3A_30, %mul3A_33 : i32
      %add3A_35 = arith.addi %mul3A_32, %mul3A_34 : i32
      "tpu.region"() ({
        %run_scoped3A = tpu.sem_alloc : memref<!tpu.dma_semaphore, #tpu.memory_space<semaphore_mem>>
        %dma_start3A = arith.constant 0 : i32
        %dma_start3A_36 = tpu.memref_slice %arg11[%add3A_35, %dma_start3A] : memref<10112x128xf32, #tpu.memory_space<vmem_shared>> -> memref<64x128xf32, #tpu.memory_space<vmem_shared>>
        %dma_start3A_37 = arith.constant 0 : i32
        %dma_start3A_38 = tpu.memref_slice %arg11[%add3A_35, %dma_start3A_37] : memref<10112x128xf32, #tpu.memory_space<vmem_shared>> -> memref<64x128xf32, #tpu.memory_space<vmem_shared>>
        tpu.enqueue_dma source(%dma_start3A_38 : memref<64x128xf32, #tpu.memory_space<vmem_shared>>) target(%arg10 : memref<64x128xf32, #tpu.memory_space<vmem>>) target_semaphore(%run_scoped3A : memref<!tpu.dma_semaphore, #tpu.memory_space<semaphore_mem>>)
        %dma_wait3A = arith.constant 0 : i32
        %dma_wait3A_39 = tpu.memref_slice %arg11[%add3A_35, %dma_wait3A] : memref<10112x128xf32, #tpu.memory_space<vmem_shared>> -> memref<64x128xf32, #tpu.memory_space<vmem_shared>>
        %dma_wait3A_40 = arith.constant 0 : i32
        %dma_wait3A_41 = tpu.memref_slice %arg11[%add3A_35, %dma_wait3A_40] : memref<10112x128xf32, #tpu.memory_space<vmem_shared>> -> memref<64x128xf32, #tpu.memory_space<vmem_shared>>
        tpu.wait_dma2 semaphore(%run_scoped3A : memref<!tpu.dma_semaphore, #tpu.memory_space<semaphore_mem>>) src(%dma_wait3A_41 : memref<64x128xf32, #tpu.memory_space<vmem_shared>>) dst(%arg10 : memref<64x128xf32, #tpu.memory_space<vmem>>)
        tpu.yield
      }) : () -> ()
      "tpu.region"() ({
        %run_scoped3A = tpu.sem_alloc : memref<!tpu.dma_semaphore, #tpu.memory_space<semaphore_mem>>
        %dma_start3A = arith.constant 0 : i32
        %dma_start3A_36 = tpu.memref_slice %arg6[%arg0, %add3A_35, %dma_start3A] : memref<2x10112x128xf32, #tpu.memory_space<hbm>> -> memref<1x64x128xf32, #tpu.memory_space<hbm>>
        %dma_start3A_37 = tpu.memref_squeeze %dma_start3A_36 : memref<1x64x128xf32, #tpu.memory_space<hbm>> -> memref<64x128xf32, #tpu.memory_space<hbm>>
        %dma_start3A_38 = arith.constant 0 : i32
        %dma_start3A_39 = tpu.memref_slice %arg6[%arg0, %add3A_35, %dma_start3A_38] : memref<2x10112x128xf32, #tpu.memory_space<hbm>> -> memref<1x64x128xf32, #tpu.memory_space<hbm>>
        %dma_start3A_40 = tpu.memref_squeeze %dma_start3A_39 : memref<1x64x128xf32, #tpu.memory_space<hbm>> -> memref<64x128xf32, #tpu.memory_space<hbm>>
        tpu.enqueue_dma source(%arg10 : memref<64x128xf32, #tpu.memory_space<vmem>>) target(%dma_start3A_40 : memref<64x128xf32, #tpu.memory_space<hbm>>) target_semaphore(%run_scoped3A : memref<!tpu.dma_semaphore, #tpu.memory_space<semaphore_mem>>)
        %dma_wait3A = arith.constant 0 : i32
        %dma_wait3A_41 = tpu.memref_slice %arg6[%arg0, %add3A_35, %dma_wait3A] : memref<2x10112x128xf32, #tpu.memory_space<hbm>> -> memref<1x64x128xf32, #tpu.memory_space<hbm>>
        %dma_wait3A_42 = tpu.memref_squeeze %dma_wait3A_41 : memref<1x64x128xf32, #tpu.memory_space<hbm>> -> memref<64x128xf32, #tpu.memory_space<hbm>>
        %dma_wait3A_43 = arith.constant 0 : i32
        %dma_wait3A_44 = tpu.memref_slice %arg6[%arg0, %add3A_35, %dma_wait3A_43] : memref<2x10112x128xf32, #tpu.memory_space<hbm>> -> memref<1x64x128xf32, #tpu.memory_space<hbm>>
        %dma_wait3A_45 = tpu.memref_squeeze %dma_wait3A_44 : memref<1x64x128xf32, #tpu.memory_space<hbm>> -> memref<64x128xf32, #tpu.memory_space<hbm>>
        tpu.wait_dma2 semaphore(%run_scoped3A : memref<!tpu.dma_semaphore, #tpu.memory_space<semaphore_mem>>) src(%arg10 : memref<64x128xf32, #tpu.memory_space<vmem>>) dst(%dma_wait3A_45 : memref<64x128xf32, #tpu.memory_space<hbm>>)
        tpu.yield
      }) : () -> ()
    }
    %scan3A_23 = arith.constant 9 : i32
    %mul3A_24 = arith.constant 632 : i32
    %mul3A_25 = arith.muli %arg1, %mul3A_24 : i32
    %add3A_26 = arith.constant 632 : i32
    %add3A_27 = arith.addi %mul3A_25, %add3A_26 : i32
    %sub3A_28 = arith.constant 56 : i32
    %sub3A_29 = arith.subi %add3A_27, %sub3A_28 : i32
    "tpu.region"() ({
      %run_scoped3A = tpu.sem_alloc : memref<!tpu.dma_semaphore, #tpu.memory_space<semaphore_mem>>
      %dma_start3A = arith.constant 0 : i32
      %dma_start3A_30 = arith.constant 0 : i32
      %dma_start3A_31 = tpu.memref_slice %arg10[%dma_start3A, %dma_start3A_30] : memref<64x128xf32, #tpu.memory_space<vmem>> -> memref<56x128xf32, #tpu.memory_space<vmem>>
      %dma_start3A_32 = arith.constant 0 : i32
      %dma_start3A_33 = tpu.memref_slice %arg11[%sub3A_29, %dma_start3A_32] : memref<10112x128xf32, #tpu.memory_space<vmem_shared>> -> memref<56x128xf32, #tpu.memory_space<vmem_shared>>
      %dma_start3A_34 = arith.constant 0 : i32
      %dma_start3A_35 = arith.constant 0 : i32
      %dma_start3A_36 = tpu.memref_slice %arg10[%dma_start3A_34, %dma_start3A_35] : memref<64x128xf32, #tpu.memory_space<vmem>> -> memref<56x128xf32, #tpu.memory_space<vmem>>
      %dma_start3A_37 = arith.constant 0 : i32
      %dma_start3A_38 = tpu.memref_slice %arg11[%sub3A_29, %dma_start3A_37] : memref<10112x128xf32, #tpu.memory_space<vmem_shared>> -> memref<56x128xf32, #tpu.memory_space<vmem_shared>>
      tpu.enqueue_dma source(%dma_start3A_38 : memref<56x128xf32, #tpu.memory_space<vmem_shared>>) target(%dma_start3A_36 : memref<56x128xf32, #tpu.memory_space<vmem>>) target_semaphore(%run_scoped3A : memref<!tpu.dma_semaphore, #tpu.memory_space<semaphore_mem>>)
      %dma_wait3A = arith.constant 0 : i32
      %dma_wait3A_39 = arith.constant 0 : i32
      %dma_wait3A_40 = tpu.memref_slice %arg10[%dma_wait3A, %dma_wait3A_39] : memref<64x128xf32, #tpu.memory_space<vmem>> -> memref<56x128xf32, #tpu.memory_space<vmem>>
      %dma_wait3A_41 = arith.constant 0 : i32
      %dma_wait3A_42 = tpu.memref_slice %arg11[%sub3A_29, %dma_wait3A_41] : memref<10112x128xf32, #tpu.memory_space<vmem_shared>> -> memref<56x128xf32, #tpu.memory_space<vmem_shared>>
      %dma_wait3A_43 = arith.constant 0 : i32
      %dma_wait3A_44 = arith.constant 0 : i32
      %dma_wait3A_45 = tpu.memref_slice %arg10[%dma_wait3A_43, %dma_wait3A_44] : memref<64x128xf32, #tpu.memory_space<vmem>> -> memref<56x128xf32, #tpu.memory_space<vmem>>
      %dma_wait3A_46 = arith.constant 0 : i32
      %dma_wait3A_47 = tpu.memref_slice %arg11[%sub3A_29, %dma_wait3A_46] : memref<10112x128xf32, #tpu.memory_space<vmem_shared>> -> memref<56x128xf32, #tpu.memory_space<vmem_shared>>
      tpu.wait_dma2 semaphore(%run_scoped3A : memref<!tpu.dma_semaphore, #tpu.memory_space<semaphore_mem>>) src(%dma_wait3A_47 : memref<56x128xf32, #tpu.memory_space<vmem_shared>>) dst(%dma_wait3A_45 : memref<56x128xf32, #tpu.memory_space<vmem>>)
      tpu.yield
    }) : () -> ()
    "tpu.region"() ({
      %run_scoped3A = tpu.sem_alloc : memref<!tpu.dma_semaphore, #tpu.memory_space<semaphore_mem>>
      %dma_start3A = arith.constant 0 : i32
      %dma_start3A_30 = arith.constant 0 : i32
      %dma_start3A_31 = tpu.memref_slice %arg10[%dma_start3A, %dma_start3A_30] : memref<64x128xf32, #tpu.memory_space<vmem>> -> memref<56x128xf32, #tpu.memory_space<vmem>>
      %dma_start3A_32 = arith.constant 0 : i32
      %dma_start3A_33 = tpu.memref_slice %arg6[%arg0, %sub3A_29, %dma_start3A_32] : memref<2x10112x128xf32, #tpu.memory_space<hbm>> -> memref<1x56x128xf32, #tpu.memory_space<hbm>>
      %dma_start3A_34 = tpu.memref_squeeze %dma_start3A_33 : memref<1x56x128xf32, #tpu.memory_space<hbm>> -> memref<56x128xf32, #tpu.memory_space<hbm>>
      %dma_start3A_35 = arith.constant 0 : i32
      %dma_start3A_36 = tpu.memref_slice %arg6[%arg0, %sub3A_29, %dma_start3A_35] : memref<2x10112x128xf32, #tpu.memory_space<hbm>> -> memref<1x56x128xf32, #tpu.memory_space<hbm>>
      %dma_start3A_37 = tpu.memref_squeeze %dma_start3A_36 : memref<1x56x128xf32, #tpu.memory_space<hbm>> -> memref<56x128xf32, #tpu.memory_space<hbm>>
      %dma_start3A_38 = arith.constant 0 : i32
      %dma_start3A_39 = arith.constant 0 : i32
      %dma_start3A_40 = tpu.memref_slice %arg10[%dma_start3A_38, %dma_start3A_39] : memref<64x128xf32, #tpu.memory_space<vmem>> -> memref<56x128xf32, #tpu.memory_space<vmem>>
      tpu.enqueue_dma source(%dma_start3A_40 : memref<56x128xf32, #tpu.memory_space<vmem>>) target(%dma_start3A_37 : memref<56x128xf32, #tpu.memory_space<hbm>>) target_semaphore(%run_scoped3A : memref<!tpu.dma_semaphore, #tpu.memory_space<semaphore_mem>>)
      %dma_wait3A = arith.constant 0 : i32
      %dma_wait3A_41 = arith.constant 0 : i32
      %dma_wait3A_42 = tpu.memref_slice %arg10[%dma_wait3A, %dma_wait3A_41] : memref<64x128xf32, #tpu.memory_space<vmem>> -> memref<56x128xf32, #tpu.memory_space<vmem>>
      %dma_wait3A_43 = arith.constant 0 : i32
      %dma_wait3A_44 = tpu.memref_slice %arg6[%arg0, %sub3A_29, %dma_wait3A_43] : memref<2x10112x128xf32, #tpu.memory_space<hbm>> -> memref<1x56x128xf32, #tpu.memory_space<hbm>>
      %dma_wait3A_45 = tpu.memref_squeeze %dma_wait3A_44 : memref<1x56x128xf32, #tpu.memory_space<hbm>> -> memref<56x128xf32, #tpu.memory_space<hbm>>
      %dma_wait3A_46 = arith.constant 0 : i32
      %dma_wait3A_47 = tpu.memref_slice %arg6[%arg0, %sub3A_29, %dma_wait3A_46] : memref<2x10112x128xf32, #tpu.memory_space<hbm>> -> memref<1x56x128xf32, #tpu.memory_space<hbm>>
      %dma_wait3A_48 = tpu.memref_squeeze %dma_wait3A_47 : memref<1x56x128xf32, #tpu.memory_space<hbm>> -> memref<56x128xf32, #tpu.memory_space<hbm>>
      %dma_wait3A_49 = arith.constant 0 : i32
      %dma_wait3A_50 = arith.constant 0 : i32
      %dma_wait3A_51 = tpu.memref_slice %arg10[%dma_wait3A_49, %dma_wait3A_50] : memref<64x128xf32, #tpu.memory_space<vmem>> -> memref<56x128xf32, #tpu.memory_space<vmem>>
      tpu.wait_dma2 semaphore(%run_scoped3A : memref<!tpu.dma_semaphore, #tpu.memory_space<semaphore_mem>>) src(%dma_wait3A_51 : memref<56x128xf32, #tpu.memory_space<vmem>>) dst(%dma_wait3A_48 : memref<56x128xf32, #tpu.memory_space<hbm>>)
      tpu.yield
    }) : () -> ()
    return
  }
}

module attributes {stable_mosaic.version = 14 : i64} {
  func.func @_tc_body(%arg0: i32, %arg1: memref<400x128xf32, #tpu.memory_space<vmem>>, %arg2: memref<2x400x128xf32, #tpu.memory_space<vmem>>, %arg3: memref<256x128xf32, #tpu.memory_space<vmem>>, %arg4: memref<1x128xf32, #tpu.memory_space<vmem>>, %arg5: memref<1x128xf32, #tpu.memory_space<vmem>>, %arg6: memref<1x128xf32, #tpu.memory_space<vmem>>, %arg7: memref<400x128xf32, #tpu.memory_space<vmem>>) attributes {dimension_semantics = [#tpu.dimension_semantics<arbitrary>], iteration_bounds = array<i64: 25>, scalar_prefetch = 0 : i64, scratch_operands = 0 : i64, tpu.core_type = #tpu.core_type<tc>, window_params = [{transform_indices = @transform_0, window_bounds = array<i64: 400, 128>}, {transform_indices = @transform_1, window_bounds = array<i64: 2, 400, 128>}, {pipeline_mode = #tpu.pipeline_mode<synchronous>, transform_indices = @transform_2, window_bounds = array<i64: 256, 128>}, {pipeline_mode = #tpu.pipeline_mode<synchronous>, transform_indices = @transform_3, window_bounds = array<i64: 1, 128>}, {pipeline_mode = #tpu.pipeline_mode<synchronous>, transform_indices = @transform_4, window_bounds = array<i64: 1, 128>}, {pipeline_mode = #tpu.pipeline_mode<synchronous>, transform_indices = @transform_5, window_bounds = array<i64: 1, 128>}, {transform_indices = @transform_6, window_bounds = array<i64: 400, 128>}]} {
    %get3A = arith.constant 0 : index
    %get3A_0 = arith.constant 0 : index
    %get3A_1 = arith.constant 0 : index
    %get3A_2 = vector.load %arg2[%get3A, %get3A_0, %get3A_1] : memref<2x400x128xf32, #tpu.memory_space<vmem>>, vector<1x400x128xf32>
    %get3A_3 = vector.shape_cast %get3A_2 : vector<1x400x128xf32> to vector<400x128xf32>
    %get3A_4 = arith.constant 1 : index
    %get3A_5 = arith.constant 0 : index
    %get3A_6 = arith.constant 0 : index
    %get3A_7 = vector.load %arg2[%get3A_4, %get3A_5, %get3A_6] : memref<2x400x128xf32, #tpu.memory_space<vmem>>, vector<1x400x128xf32>
    %get3A_8 = vector.shape_cast %get3A_7 : vector<1x400x128xf32> to vector<400x128xf32>
    %add3A = arith.addf %get3A_3, %get3A_8 : vector<400x128xf32>
    %get3A_9 = arith.constant 0 : index
    %get3A_10 = arith.constant 0 : index
    %get3A_11 = vector.load %arg1[%get3A_9, %get3A_10] : memref<400x128xf32, #tpu.memory_space<vmem>>, vector<400x128xf32>
    %get3A_12 = arith.constant 0 : index
    %get3A_13 = arith.constant 0 : index
    %get3A_14 = vector.load %arg3[%get3A_12, %get3A_13] : memref<256x128xf32, #tpu.memory_space<vmem>>, vector<128x128xf32>
    %dot_general3A = arith.constant dense<0.000000e+00> : vector<400x128xf32>
    %dot_general3A_15 = tpu.matmul %get3A_11, %get3A_14, %dot_general3A {dimension_numbers = #tpu.dot_dimension_numbers<[1], [0], [0], [1], [0, 0, 1, 1], [], []>, transpose_lhs_hint = false} : vector<400x128xf32>, vector<128x128xf32>, vector<400x128xf32> -> vector<400x128xf32>
    %get3A_16 = arith.constant 128 : index
    %get3A_17 = arith.constant 0 : index
    %get3A_18 = vector.load %arg3[%get3A_16, %get3A_17] : memref<256x128xf32, #tpu.memory_space<vmem>>, vector<128x128xf32>
    %dot_general3A_19 = arith.constant dense<0.000000e+00> : vector<400x128xf32>
    %dot_general3A_20 = tpu.matmul %add3A, %get3A_18, %dot_general3A_19 {dimension_numbers = #tpu.dot_dimension_numbers<[1], [0], [0], [1], [0, 0, 1, 1], [], []>, transpose_lhs_hint = false} : vector<400x128xf32>, vector<128x128xf32>, vector<400x128xf32> -> vector<400x128xf32>
    %add3A_21 = arith.addf %dot_general3A_15, %dot_general3A_20 : vector<400x128xf32>
    %get3A_22 = arith.constant 0 : index
    %get3A_23 = arith.constant 0 : index
    %get3A_24 = vector.load %arg4[%get3A_22, %get3A_23] : memref<1x128xf32, #tpu.memory_space<vmem>>, vector<1x128xf32>
    %add3A_25 = vector.broadcast %get3A_24 : vector<1x128xf32> to vector<400x128xf32>
    %add3A_26 = arith.addf %add3A_21, %add3A_25 : vector<400x128xf32>
    %reduce_sum3A = arith.constant dense<0.000000e+00> : vector<400xf32>
    %reduce_sum3A_27 = vector.multi_reduction <add>, %add3A_26, %reduce_sum3A [1] : vector<400x128xf32> to vector<400xf32>
    %broadcast_in_dim3A = vector.shape_cast %reduce_sum3A_27 : vector<400xf32> to vector<400x1xf32>
    %div3A = arith.constant 1.280000e+02 : f32
    %div3A_28 = vector.broadcast %div3A : f32 to vector<400x1xf32>
    %div3A_29 = arith.divf %broadcast_in_dim3A, %div3A_28 : vector<400x1xf32>
    %sub3A = vector.broadcast %div3A_29 : vector<400x1xf32> to vector<400x128xf32>
    %sub3A_30 = arith.subf %add3A_26, %sub3A : vector<400x128xf32>
    %mul3A = arith.mulf %sub3A_30, %sub3A_30 : vector<400x128xf32>
    %reduce_sum3A_31 = arith.constant dense<0.000000e+00> : vector<400xf32>
    %reduce_sum3A_32 = vector.multi_reduction <add>, %mul3A, %reduce_sum3A_31 [1] : vector<400x128xf32> to vector<400xf32>
    %broadcast_in_dim3A_33 = vector.shape_cast %reduce_sum3A_32 : vector<400xf32> to vector<400x1xf32>
    %div3A_34 = arith.constant 1.280000e+02 : f32
    %div3A_35 = vector.broadcast %div3A_34 : f32 to vector<400x1xf32>
    %div3A_36 = arith.divf %broadcast_in_dim3A_33, %div3A_35 : vector<400x1xf32>
    %add3A_37 = arith.constant 9.99999974E-6 : f32
    %add3A_38 = vector.broadcast %add3A_37 : f32 to vector<400x1xf32>
    %add3A_39 = arith.addf %div3A_36, %add3A_38 : vector<400x1xf32>
    %rsqrt3A = math.rsqrt %add3A_39 : vector<400x1xf32>
    %mul3A_40 = vector.broadcast %rsqrt3A : vector<400x1xf32> to vector<400x128xf32>
    %mul3A_41 = arith.mulf %sub3A_30, %mul3A_40 : vector<400x128xf32>
    %get3A_42 = arith.constant 0 : index
    %get3A_43 = arith.constant 0 : index
    %get3A_44 = vector.load %arg5[%get3A_42, %get3A_43] : memref<1x128xf32, #tpu.memory_space<vmem>>, vector<1x128xf32>
    %mul3A_45 = vector.broadcast %get3A_44 : vector<1x128xf32> to vector<400x128xf32>
    %mul3A_46 = arith.mulf %mul3A_41, %mul3A_45 : vector<400x128xf32>
    %get3A_47 = arith.constant 0 : index
    %get3A_48 = arith.constant 0 : index
    %get3A_49 = vector.load %arg6[%get3A_47, %get3A_48] : memref<1x128xf32, #tpu.memory_space<vmem>>, vector<1x128xf32>
    %add3A_50 = vector.broadcast %get3A_49 : vector<1x128xf32> to vector<400x128xf32>
    %add3A_51 = arith.addf %mul3A_46, %add3A_50 : vector<400x128xf32>
    %swap3A = arith.constant 0 : index
    %swap3A_52 = arith.constant 0 : index
    %swap3A_53 = vector.load %arg7[%swap3A, %swap3A_52] : memref<400x128xf32, #tpu.memory_space<vmem>>, vector<400x128xf32>
    tpu.vector_store %arg7[%swap3A, %swap3A_52], %add3A_51 {strides = array<i32>} : memref<400x128xf32, #tpu.memory_space<vmem>>, vector<400x128xf32>,
    return
  }
  func.func @transform_0(%arg0: i32) -> (i32, i32) {
    %c0_i32 = arith.constant 0 : i32
    %c0_i32_0 = arith.constant 0 : i32
    return %arg0, %c0_i32 : i32, i32
  }
  func.func @transform_1(%arg0: i32) -> (i32, i32, i32) {
    %c0_i32 = arith.constant 0 : i32
    %c0_i32_0 = arith.constant 0 : i32
    %c0_i32_1 = arith.constant 0 : i32
    return %c0_i32, %arg0, %c0_i32_0 : i32, i32, i32
  }
  func.func @transform_2(%arg0: i32) -> (i32, i32) {
    %c0_i32 = arith.constant 0 : i32
    %c0_i32_0 = arith.constant 0 : i32
    %c0_i32_1 = arith.constant 0 : i32
    return %c0_i32, %c0_i32_0 : i32, i32
  }
  func.func @transform_3(%arg0: i32) -> (i32, i32) {
    %c0_i32 = arith.constant 0 : i32
    %c0_i32_0 = arith.constant 0 : i32
    %c0_i32_1 = arith.constant 0 : i32
    return %c0_i32, %c0_i32_0 : i32, i32
  }
  func.func @transform_4(%arg0: i32) -> (i32, i32) {
    %c0_i32 = arith.constant 0 : i32
    %c0_i32_0 = arith.constant 0 : i32
    %c0_i32_1 = arith.constant 0 : i32
    return %c0_i32, %c0_i32_0 : i32, i32
  }
  func.func @transform_5(%arg0: i32) -> (i32, i32) {
    %c0_i32 = arith.constant 0 : i32
    %c0_i32_0 = arith.constant 0 : i32
    %c0_i32_1 = arith.constant 0 : i32
    return %c0_i32, %c0_i32_0 : i32, i32
  }
  func.func @transform_6(%arg0: i32) -> (i32, i32) {
    %c0_i32 = arith.constant 0 : i32
    %c0_i32_0 = arith.constant 0 : i32
    return %arg0, %c0_i32 : i32, i32
  }
}

</mosaic_0001>

<sc_bundles>
// kernel: kernel.4.cloned.1.call-start
scs
__scs_entry_jumppad:
0x0: {  	(pc) =	sbr.rel $0x88, $3  }
0x1: {  	(tag) =	ssettag $0x0;
	lr =	simm.s32 $0x1  }
0x2: {  	[smem:$0x3F9B] =	sst lr;
	_ =	strace $0xD0000000  }
0x3: {  	_ = 	snop  }
0x4: {  	_ = 	snop  }
0x5: {  	_ = 	snop  }
0x6: {  	_ = 	snop  }
0x7: {  	_ = 	snop  }
__scs_overlays_trampoline_lowered:
0x8: {  	[smem:$0x3FAA] =	sst s0  }
0x9: {  	[smem:$0x3FAB] =	sst s1  }
0xa: {  	[smem:$0x3FAC] =	sst s2  }
0xb: {  	[smem:$0x3FAD] =	sst s3  }
0xc: {  	[smem:$0x3FAE] =	sst s4  }
0xd: {  	[smem:$0x3FAF] =	sst s5  }
0xe: {  	[smem:$0x3FB0] =	sst s6  }
0xf: {  	[smem:$0x3FB1] =	sst s7  }
0x10: {  	[smem:$0x3FB2] =	sst s8  }
0x11: {  	[smem:$0x3FB3] =	sst s9;
	s0 =	simm.s32 @!p0 $0x0  }
0x12: {  	s1 =	sld [smem:$0x3F99];
	s0 =	simm.s32 @p0 $0x1  }
0x13: {  	[smem:$0x3FB4] =	sst s0;
	s0 =	simm.s32 @!p1 $0x0  }
0x14: {  	s2 =	sld [smem:$0x3F98];
	s0 =	simm.s32 @p1 $0x1  }
0x15: {  	[smem:$0x3FB5] =	sst s0;
	s0 =	simm.s32 @!p2 $0x0  }
0x16: {  	s3 =	sld [smem:$0x3FDB];
	s0 =	simm.s32 @p2 $0x1  }
0x17: {  	s4 =	simm.s32 $0x1BF5;
	[smem:$0x3FB7] =	sst s0  }
0x18: {  	s0 =	sld [smem:$0x3F9A];
	_ =	swait.ge [sflag:s4], $0x0  }
0x19: {  	s7 =	sld [smem:$0x3F9B]  }
0x1a: {  	s8 =	sadd.s32 $0xFFFFE003, lr  }
0x1b: {  	s9 =	sadd.s32 $0xFFFFFEF7, lr;
	s5 =	simm.s32 $0xFFFFFFFF;
	p2 =	slt.u32 s8, $0xFFFFF086  }
0x1c: {  	p1 =	slt.u32 s9, $0xF7A;
	s5 =	simm.s32 @!p2 $0x0  }
0x1d: {  	s5 =	simm.s32 @p1 $0x1;
	p0 =	seq.s32 s7, s2  }
0x1e: {  	s7 =	smul.u32 @!p0 $0xF7A, s2;
	p2 =	seq.s32 @!p0 s5, $0x0  }
0x1f: {  	s9 =	smul.u32 $0xF7A, s1;
	s8 =	simm.s32 @!p0 $0x1BF5;
	p2 =	por !p2, p0  }
0x20: {  	[sflag:s8] =	ssyncset.s32 @!p0 $0xFFFFF086;
	s6 =	sadd.s32 @!p0 s3, s7;
	s7 =	simm.s32 @!p0 $0x108  }
0x21: {  	s3 =	sadd.s32 s3, s9;
	s6 =	sadd.s32 @!p0 $0x88, s6;
	s7 =	simm.s32 @p2 $0x1082  }
0x22: {  	[simem:s7], [sflag:s8] =	dma.local @!p0 [hbm:s6], $0xF7A  }
0x23: {  	s9 =	sor.u32 $0xD0000000, s2;
	s6 =	simm.s32 $0x108;
	_ =	swait.ge @!p0 [sflag:s8], $0x0  }
0x24: {  	s3 =	sadd.s32 $0x88, s3;
	s6 =	simm.s32 @!p1 $0x1082;
	[sflag:s4] =	ssyncset.s32 $0xFFFFF086  }
0x25: {  	[simem:s6], [sflag:s4] =	dma.local [hbm:s3], $0xF7A  }
0x26: {  	[smem:$0x3F9B] =	sst s1;
	(tag) =	ssettag s2;
	_ =	strace s9  }
0x27: {  	s1 =	sld [smem:$0x3FAB]  }
0x28: {  	s2 =	sld [smem:$0x3FAC]  }
0x29: {  	s4 =	sld [smem:$0x3FAE]  }
0x2a: {  	p0 =	seq.s32 s5, $0x0;
	s5 =	sld [smem:$0x3FAF]  }
0x2b: {  	s6 =	sld [smem:$0x3FB0]  }
0x2c: {  	s7 =	sld [smem:$0x3FB1]  }
0x2d: {  	s3 =	simm.s32 $0x108;
	s8 =	sld [smem:$0x3FB2]  }
0x2e: {  	s3 =	simm.s32 @!p0 $0x1082;
	s9 =	sld [smem:$0x3FB3]  }
0x2f: {  	lr =	sadd.s32 s0, s3;
	s0 =	sld [smem:$0x3FAA]  }
0x30: {  	s3 =	sld [smem:$0x3FAD]  }
0x31: {  	[smem:$0x3FB6] =	sst s10  }
0x32: {  	s10 =	sld [smem:$0x3FB4];
	_ =	sdelay $0x3  }
0x33: {  	p0 =	seq.s32 s10, $0x1;
	s10 =	sld [smem:$0x3FB6];
	_ =	sdelay $0x3  }
0x34: {  	[smem:$0x3FB6] =	sst s10  }
0x35: {  	s10 =	sld [smem:$0x3FB5];
	_ =	sdelay $0x3  }
0x36: {  	p1 =	seq.s32 s10, $0x1;
	s10 =	sld [smem:$0x3FB6];
	_ =	sdelay $0x3  }
0x37: {  	[smem:$0x3FB6] =	sst s10  }
0x38: {  	s10 =	sld [smem:$0x3FB7]  }
0x39: {  	_ = 	snop;
	(pc) =	sbr.ind lr, $3  }
0x3a: {  	_ = 	snop  }
0x3b: {  	_ = 	snop  }
0x3c: {  	p2 =	seq.s32 s10, $0x1;
	s10 =	sld [smem:$0x3FB6]  }
0x3d: {  	_ =	shalt  }
0x3e: {  	_ =	shalt  }
0x3f: {  	_ =	shalt  }
0x40: {  	_ =	shalt  }
0x41: {  	_ =	shalt  }
0x42: {  	_ =	shalt  }
0x43: {  	_ =	shalt  }
0x44: {  	_ =	shalt  }
0x45: {  	_ =	shalt  }
0x46: {  	_ =	shalt  }
0x47: {  	_ =	shalt  }
0x48: {  	_ =	shalt  }
0x49: {  	_ =	shalt  }
0x4a: {  	_ =	shalt  }
0x4b: {  	_ =	shalt  }
0x4c: {  	_ =	shalt  }
0x4d: {  	_ =	shalt  }
0x4e: {  	_ =	shalt  }
0x4f: {  	_ =	shalt  }
0x50: {  	_ =	shalt  }
0x51: {  	_ =	shalt  }
0x52: {  	_ =	shalt  }
0x53: {  	_ =	shalt  }
0x54: {  	_ =	shalt  }
0x55: {  	_ =	shalt  }
0x56: {  	_ =	shalt  }
0x57: {  	_ =	shalt  }
0x58: {  	_ =	shalt  }
0x59: {  	_ =	shalt  }
0x5a: {  	_ =	shalt  }
0x5b: {  	_ =	shalt  }
0x5c: {  	_ =	shalt  }
0x5d: {  	_ =	shalt  }
0x5e: {  	_ =	shalt  }
0x5f: {  	_ =	shalt  }
0x60: {  	_ =	shalt  }
0x61: {  	_ =	shalt  }
0x62: {  	_ =	shalt  }
0x63: {  	_ =	shalt  }
0x64: {  	_ =	shalt  }
0x65: {  	_ =	shalt  }
0x66: {  	_ =	shalt  }
0x67: {  	_ =	shalt  }
0x68: {  	_ =	shalt  }
0x69: {  	_ =	shalt  }
0x6a: {  	_ =	shalt  }
0x6b: {  	_ =	shalt  }
0x6c: {  	_ =	shalt  }
0x6d: {  	_ =	shalt  }
0x6e: {  	_ =	shalt  }
0x6f: {  	_ =	shalt  }
0x70: {  	_ =	shalt  }
0x71: {  	_ =	shalt  }
0x72: {  	_ =	shalt  }
0x73: {  	_ =	shalt  }
0x74: {  	_ =	shalt  }
0x75: {  	_ =	shalt  }
0x76: {  	_ =	shalt  }
0x77: {  	_ =	shalt  }
0x78: {  	_ =	shalt  }
0x79: {  	_ =	shalt  }
0x7a: {  	_ =	shalt  }
0x7b: {  	_ =	shalt  }
0x7c: {  	_ =	shalt  }
0x7d: {  	_ =	shalt  }
0x7e: {  	_ =	shalt  }
0x7f: {  	_ =	shalt  }
0x80: {  	_ =	shalt  }
0x81: {  	_ =	shalt  }
0x82: {  	_ =	shalt  }
0x83: {  	_ =	shalt  }
0x84: {  	_ =	shalt  }
0x85: {  	_ =	shalt  }
0x86: {  	_ =	shalt  }
0x87: {  	_ =	shalt  }
.Lfunc_end0:
.L_simem_size_0:
called_computation_lowered:
.L_overlay_start_0:
0x88: {  	s2 =	sld [smem:$0x3FD9]  }
0x89: {  	s3 =	sld [smem:$0x3FFE];
	_ =	sdelay $0x1  }
0x8a: {  	s1 =	srdreg.scid  }
0x8b: {  	s0 =	sand.u32 $0x1, s1  }
0x8c: {  	s17 =	sshll.u32 s0, $0xA;
	s2 =	sadd.s32 s3, s2  }
0x8d: {  	s2 =	sadd.s32 s2, s17  }
0x8e: {  	[smem:$0x3FC2] =	sst s2  }
0x8f: {  	_ = 	snop  }
0x90: {  	s2 =	sld [smem:$0x3FC9]  }
0x91: {  	s18 =	sld [smem:$0x3FD0];
	(tm) =	ssettm $0x1  }
0x92: {  	s4 =	sld [smem:$0x3FFB];
	_ =	sdelay $0x3  }
0x93: {  	_ =	strace s4  }
0x94: {  	s4 =	sld [smem:$0x3FFC];
	_ =	sdelay $0x3  }
0x95: {  	_ =	strace s4  }
0x96: {  	s4 =	sld [smem:$0x3FFD];
	_ =	sdelay $0x3  }
0x97: {  	_ =	strace s4  }
0x98: {  	_ =	strace $0x8FFFFFFF  }
0x99: {  	s19 =	sld [smem:$0x3FDB];
	_ =	sdelay $0x1  }
0x9a: {  	s5 =	simm.s32 $_scs_section_size  }
0x9b: {  	s6 =	simm.s32 $_size__tile_overlayer_lowered;
	s7 =	simm.s32 $_tile_overlayer_lowered  }
0x9c: {  	s22 =	simm.s32 $0x1BFF;
	s21 =	sshll.u32 s7, $0x1;
	s4 =	sadd.s32 s5, s19  }
0x9d: {  	s8 =	simm.s32 $0x0;
	s20 =	sshll.u32 s6, $0x1;
	s6 =	sadd.s32 s21, s4  }
0x9e: {  	[timem:s8], [sflag:s22] =	dma.local [hbm:s6], s20  }
0x9f: {  	_ =	swait.ge [sflag:s22], s20  }
0xa0: {  	s5 =	ssub.s32 $0x0, s20;
	[sflag:s22] =	ssyncset.done $0x0  }
0xa1: {  	[sflag:s22] =	ssyncadd.s32 s5;
	_ =	sdelay $0x1  }
0xa2: {  	s23 =	simm.s32 $0x1B8B  }
0xa3: {  	_ =	swait.ge [sflag:s23], $0x1  }
0xa4: {  	[sflag:s23] =	ssyncset.done $0x0  }
0xa5: {  	s25 =	simm.s32 $0x1B8E;
	s24 =	sld [smem:$0x3FFE];
	[sflag:s23] =	ssyncadd.s32 $0xFFFFFFFF  }
0xa6: {  	s26 =	simm.s32 $execute0_lowered;
	[smem:$0x3FD2] =	sst s25  }
0xa7: {  	s6 =	sshll.u32 s26, $0x1;
	_ =	strace $0x80000046;
	[dreg:$0x1] =	wrdreg $0xFFFFFFFF  }
0xa8: {  	s28 =	simm.s32 $_size_execute0_lowered;
	s4 =	sadd.s32 s4, s6;
	[dreg:$0x0] =	wrdreg $0x0  }
0xa9: {  	s6 =	sshll.u32 s28, $0x1;
	[dreg:$0x2] =	wrdreg s4  }
0xaa: {  	[dreg:$0x3] =	wrdreg s6  }
0xab: {  	[dreg:$0x4] =	wrdreg $0xC0  }
0xac: {  	_ =	task [dreg:s8], $0x5FFFF  }
0xad: {  	[dreg:$0x1] =	wrdreg $0xFFFFFFFF  }
0xae: {  	[dreg:$0x0] =	wrdreg $0x60  }
0xaf: {  	[dreg:$0x2] =	wrdreg s2  }
0xb0: {  	[dreg:$0x3] =	wrdreg s18  }
0xb1: {  	[dreg:$0x4] =	wrdreg s24  }
0xb2: {  	[dreg:$0x5] =	wrdreg $0xB0000  }
0xb3: {  	[dreg:$0x6] =	wrdreg $0x9  }
0xb4: {  	_ =	task.clear_ibuf [dreg:s8], $0x7FFFF;
	_ =	strace $0x90000046  }
0xb5: {  	s29 =	simm.s32 $0x9;
	_ =	strace $0x80000048  }
0xb6: {  	_ =	swait.ge [sflag:s29], $0x1  }
0xb7: {  	[sflag:s29] =	ssyncadd.s32 $0xFFFFFFFF  }
0xb8: {  	_ =	strace $0x90000048  }
0xb9: {  	_ =	sfence  }
0xba: {  	s30 =	sld [smem:$0x0];
	_ =	sdelay $0x2  }
0xbb: {  	s31 =	sshll.u32 s1, $0xD;
	s1 =	sshrl.u32 s1, $0x2  }
0xbc: {  	s3 =	sand.u32 $0x4000, s31;
	s1 =	sadd.s32 s1, s30  }
0xbd: {  	s0 =	sor.u32 s3, s0;
	s1 =	sshll.u32 s1, $0x11  }
0xbe: {  	s0 =	sor.u32 s1, s0  }
0xbf: {  	s0 =	sadd.s32 $0x8F2B, s0  }
0xc0: {  	[sflag:s0] =	ssyncadd.remote.s32 $0x1  }
0xc1: {  	_ =	sfence.sel $0xFFFF  }
0xc2: {  	[dreg:$0x0] =	wrdreg $0xFFFFFFFF;
	(pc) =	sbr.abs _section_cstart, $3  }
0xc3: {  	[dreg:$0x1] =	wrdreg $0xFFFFFFFF  }
0xc4: {  	_ =	task.clear_ibuf [dreg:s8], $0x2FFFF;
	_ =	strace $0x9FFFFFFF  }
0xc5: {  	(tm) =	ssettm $0x7FFFFFFF  }
tec
execute0_lowered:
.L_overlay_start_1:
0x0: {  	(tag) =	ssettag $0x1  }
0x1: {  	s0 =	srdreg.scid;
	s18 =	stileid.u32  }
0x2: {  	s4 =	rddreg [dreg:$0x2];
	s0 =	sand.u32 $0x1, s0;
	s5 =	smul.u32 $0x13C00, s18  }
0x3: {  	s7 =	sadd.s32 $0xB200, s4;
	s1 =	sshll.u32 s0, $0x4;
	s6 =	ssub.s32 $0x2, s0  }
0x4: {  	s0 =	smul.u32 $0x13C000, s0;
	s2 =	sor.u32 s18, s1;
	s1 =	rddreg [dreg:$0x0]  }
0x5: {  	s8 =	sshrl.u32 s6, $0x1;
	s9 =	sadd.s32 $0x12000, s5;
	s11 =	sadd.s32 $0x2000, s5  }
0x6: {  	s12 =	sadd.s32 $0x6000, s5;
	s14 =	sadd.s32 $0x8000, s5;
	s15 =	sadd.s32 $0xA000, s5  }
0x7: {  	s16 =	sadd.s32 $0xC000, s5;
	s28 =	sadd.s32 $0xE000, s5;
	s3 =	smul.u32 $0x500, s2  }
0x8: {  	s2 =	simm.s32 $0x0;
	s6 =	ssub.s32 s6, s8;
	s19 =	sadd.s32 s0, s9  }
0x9: {  	s10 =	sadd.s32 s0, s5;
	s21 =	sadd.s32 s0, s11;
	s13 =	sadd.s32 s0, s12  }
0xa: {  	s24 =	sadd.s32 s0, s14;
	s25 =	sadd.s32 s0, s15;
	s26 =	sadd.s32 s0, s16  }
0xb: {  	[smem:$0x7FF] =	sst s2;
	s8 =	sshrl.u32 s19, $0x3;
	s10 =	sshrl.u32 s10, $0x3  }
0xc: {  	s13 =	sshrl.u32 s13, $0x3;
	s19 =	sadd.s32 s0, s28;
	s8 =	sadd.s32 s7, s8  }
0xd: {  	s20 =	sadd.s32 s7, s10;
	s10 =	sadd.s32 $0x4000, s5;
	[dreg:$0x5] =	wrdreg s8  }
0xe: {  	s23 =	sadd.s32 s7, s13;
	s13 =	sshrl.u32 s26, $0x3;
	[dreg:$0x6] =	wrdreg s20  }
0xf: {  	s5 =	sadd.s32 $0x10000, s5;
	s8 =	sshrl.u32 s21, $0x3;
	[dreg:$0x9] =	wrdreg s23  }
0x10: {  	s22 =	sadd.s32 s0, s10;
	s17 =	sadd.s32 s7, s13;
	s13 =	rddreg [dreg:$0x3]  }
0x11: {  	s0 =	sadd.s32 s0, s5;
	s20 =	smul.u32 $0x4F000, s18;
	[dreg:$0xc] =	wrdreg s17  }
0x12: {  	s23 =	sadd.s32 $0xAE00, s4;
	s8 =	sadd.s32 s7, s8;
	s17 =	rddreg [dreg:$0x1]  }
0x13: {  	s0 =	sshrl.u32 s0, $0x3;
	s18 =	sadd.s32 s9, s13;
	s26 =	sadd.s32 s11, s13  }
0x14: {  	s28 =	sadd.s32 s28, s13;
	s29 =	sadd.s32 s5, s13;
	s9 =	simm.s32 $0x80  }
0x15: {  	[dreg:$0x7] =	wrdreg s8;
	s8 =	sshrl.u32 s22, $0x3;
	s0 =	sadd.s32 s7, s0  }
0x16: {  	s21 =	sadd.s32 s17, s3;
	s8 =	sadd.s32 s7, s8;
	[dreg:$0xe] =	wrdreg s0  }
0x17: {  	s22 =	sadd.s32 s3, s4;
	[dreg:$0x8] =	wrdreg s8;
	s8 =	sshrl.u32 s24, $0x3  }
0x18: {  	s0 =	sadd.s32 $0xE00, s22;
	s22 =	sadd.s32 s10, s13;
	s8 =	sadd.s32 s7, s8  }
0x19: {  	s24 =	sshrl.u32 s20, $0x2;
	[dreg:$0xa] =	wrdreg s8;
	s8 =	sshrl.u32 s25, $0x3  }
0x1a: {  	s10 =	simm.s32 $0x5000;
	s17 =	sadd.s32 s24, s13;
	s8 =	sadd.s32 s7, s8  }
0x1b: {  	s24 =	sadd.s32 s14, s13;
	[dreg:$0xb] =	wrdreg s8;
	s8 =	sshrl.u32 s19, $0x3  }
0x1c: {  	s14 =	simm.s32 $0x0;
	s25 =	smax.u32 s6, $0x1;
	s8 =	sadd.s32 s7, s8  }
0x1d: {  	s30 =	sadd.s32 $0x2000, s17;
	s31 =	sadd.s32 $0x4000, s17;
	[dreg:$0xd] =	wrdreg s8  }
0x1e: {  	s11 =	sadd.s32 $0x6000, s17;
	_ =	strace $0x80000047;
	[dreg:$0xf] =	wrdreg s21  }
0x1f: {  	s3 =	sadd.s32 $0xA000, s17;
	s4 =	sadd.s32 $0xC000, s17;
	[dreg:$0x10] =	wrdreg s23  }
0x20: {  	s5 =	sadd.s32 $0xE000, s17;
	s6 =	sadd.s32 $0x10000, s17;
	[dreg:$0x11] =	wrdreg s0  }
0x21: {  	s7 =	simm.s32 $0x9000;
	s8 =	simm.s32 $0x2;
	[dreg:$0x12] =	wrdreg s25  }
0x22: {  	[dreg:$0x13] =	wrdreg s26;
	s23 =	sadd.s32 s12, s13;
	s25 =	sadd.s32 s15, s13  }
0x23: {  	s26 =	sadd.s32 s16, s13;
	s0 =	sadd.s32 $0x8000, s17;
	s12 =	simm.s32 $0x1  }
.LBB2_1:
0x24: {  	s15 =	rddreg [dreg:$0x10]  }
0x25: {  	[tilespmem:s7], [sflag:$0x2] =	stream.linear.gather [hbm4b:s15+s2], $0x2000, $0x38;
	[tilespmem:$0x1EC00] =	vst v63  }
0x26: {  	_ =	swait.ge [sflag:s8], $0x2000  }
0x27: {  	[sflag:s8] =	ssyncset.done $0x0  }
0x28: {  	[sflag:s8] =	ssyncadd.s32 $0xFFFFE000  }
0x29: {  	[spmem:s17] =	stream.linear.scatter [tilespmem:s7], [sflag:$0x2], $0x2000, $0x38;
	[tilespmem:$0x1EC00] =	vst v63  }
0x2a: {  	_ =	swait.ge [sflag:s8], $0x2000  }
0x2b: {  	[sflag:s8] =	ssyncset.done $0x0  }
0x2c: {  	[sflag:s8] =	ssyncadd.s32 $0xFFFFE000  }
0x2d: {  	[spmem:s30] =	stream.linear.scatter [tilespmem:s7], [sflag:$0x2], $0x2000, $0x38;
	[tilespmem:$0x1EC00] =	vst v63  }
0x2e: {  	_ =	swait.ge [sflag:s8], $0x2000  }
0x2f: {  	[sflag:s8] =	ssyncset.done $0x0  }
0x30: {  	[sflag:s8] =	ssyncadd.s32 $0xFFFFE000  }
0x31: {  	[spmem:s31] =	stream.linear.scatter [tilespmem:s7], [sflag:$0x2], $0x2000, $0x38;
	[tilespmem:$0x1EC00] =	vst v63  }
0x32: {  	_ =	swait.ge [sflag:s8], $0x2000  }
0x33: {  	[sflag:s8] =	ssyncset.done $0x0  }
0x34: {  	[sflag:s8] =	ssyncadd.s32 $0xFFFFE000  }
0x35: {  	[spmem:s11] =	stream.linear.scatter [tilespmem:s7], [sflag:$0x2], $0x2000, $0x38;
	[tilespmem:$0x1EC00] =	vst v63  }
0x36: {  	_ =	swait.ge [sflag:s8], $0x2000  }
0x37: {  	[sflag:s8] =	ssyncset.done $0x0  }
0x38: {  	[sflag:s8] =	ssyncadd.s32 $0xFFFFE000  }
0x39: {  	[spmem:s0] =	stream.linear.scatter [tilespmem:s7], [sflag:$0x2], $0x2000, $0x38;
	[tilespmem:$0x1EC00] =	vst v63  }
0x3a: {  	_ =	swait.ge [sflag:s8], $0x2000  }
0x3b: {  	[sflag:s8] =	ssyncset.done $0x0  }
0x3c: {  	[sflag:s8] =	ssyncadd.s32 $0xFFFFE000  }
0x3d: {  	[spmem:s3] =	stream.linear.scatter [tilespmem:s7], [sflag:$0x2], $0x2000, $0x38;
	[tilespmem:$0x1EC00] =	vst v63  }
0x3e: {  	_ =	swait.ge [sflag:s8], $0x2000  }
0x3f: {  	[sflag:s8] =	ssyncset.done $0x0  }
0x40: {  	[sflag:s8] =	ssyncadd.s32 $0xFFFFE000  }
0x41: {  	[spmem:s4] =	stream.linear.scatter [tilespmem:s7], [sflag:$0x2], $0x2000, $0x38;
	[tilespmem:$0x1EC00] =	vst v63  }
0x42: {  	_ =	swait.ge [sflag:s8], $0x2000  }
0x43: {  	[sflag:s8] =	ssyncset.done $0x0  }
0x44: {  	[sflag:s8] =	ssyncadd.s32 $0xFFFFE000  }
0x45: {  	[spmem:s5] =	stream.linear.scatter [tilespmem:s7], [sflag:$0x2], $0x2000, $0x38;
	[tilespmem:$0x1EC00] =	vst v63  }
0x46: {  	_ =	swait.ge [sflag:s8], $0x2000  }
0x47: {  	[sflag:s8] =	ssyncset.done $0x0  }
0x48: {  	[sflag:s8] =	ssyncadd.s32 $0xFFFFE000  }
0x49: {  	[spmem:s6] =	stream.linear.scatter [tilespmem:s7], [sflag:$0x2], $0x2000, $0x38;
	[tilespmem:$0x1EC00] =	vst v63  }
0x4a: {  	_ =	swait.ge [sflag:s8], $0x2000  }
0x4b: {  	[sflag:s8] =	ssyncset.done $0x0  }
0x4c: {  	[sflag:s8] =	ssyncadd.s32 $0xFFFFE000  }
0x4d: {  	[spmem:s18] =	stream.linear.scatter [tilespmem:s7], [sflag:$0x2], $0x1C00, $0x38;
	[tilespmem:$0x1EC00] =	vst v63  }
0x4e: {  	_ =	swait.ge [sflag:s8], $0x1C00  }
0x4f: {  	[sflag:s8] =	ssyncset.done $0x0  }
0x50: {  	s16 =	rddreg [dreg:$0xf];
	[sflag:s8] =	ssyncadd.s32 $0xFFFFE400  }
0x51: {  	[tilespmem:s2], [sflag:$0x2] =	stream.linear.gather [hbm4b:s16+s2], $0x2780, $0x38;
	[tilespmem:$0x1EC00] =	vst v63  }
0x52: {  	_ =	swait.ge [sflag:s8], $0x2780  }
0x53: {  	[sflag:s8] =	ssyncset.done $0x0  }
0x54: {  	s16 =	simm.s32 $0x2800;
	s19 =	rddreg [dreg:$0x11];
	[sflag:s8] =	ssyncadd.s32 $0xFFFFD880  }
0x55: {  	[tilespmem:s16], [sflag:$0x2] =	stream.linear.gather [hbm4b:s19+s2], $0x2780, $0x38;
	[tilespmem:$0x1EC00] =	vst v63  }
0x56: {  	_ =	swait.ge [sflag:s8], $0x2780  }
0x57: {  	[sflag:s8] =	ssyncset.done $0x0  }
0x58: {  	[sflag:s8] =	ssyncadd.s32 $0xFFFFD880  }
0x59: {  	s20 =	simm.s32 $0x2800;
	[bflag:$0x0] =	sbarrier.arrive $0xFFFF  }
0x5a: {  	[tilespmem:s10], [sflag:$0x1] =	stream.indirect.gather [hbm4b:s1+s9], $0x80, s20, s9, $0xb8;
	[tilespmem:$0x1EC00] =	vst v63  }
0x5b: {  	_ =	swait.ge [sflag:s12], $0x4000  }
0x5c: {  	[sflag:s12] =	ssyncset.done $0x0  }
0x5d: {  	s21 =	simm.s32 $0x0;
	[sflag:s12] =	ssyncadd.s32 $0xFFFFC000  }
0x5e: {  	[spmem:s13] =	stream.indirect.scatter.add.f32 [tilespmem:s10], [sflag:$0x2], $0x80, s21, s9, $0xb8;
	[tilespmem:$0x1EC00] =	vst v63  }
0x5f: {  	_ =	swait.ge [sflag:s8], $0x4000  }
0x60: {  	s15 =	simm.s32 $0x80;
	s16 =	simm.s32 $0x400;
	[sflag:s8] =	ssyncset.done $0x0  }
.LBB2_2:
0x61: {  	s19 =	sadd.s32 $0x2800, s15  }
0x62: {  	[sflag:s8] =	ssyncadd.s32 $0xFFFFC000;
	s20 =	smov.u32 s16;
	s21 =	sadd.s32 $0x200, s16  }
0x63: {  	[tilespmem:s10], [sflag:$0x1] =	stream.indirect.gather [hbm4b:s1+s9], $0x80, s19, s9, $0xb8;
	[tilespmem:$0x1EC00] =	vst v63  }
0x64: {  	p0 =	sne.s32 s16, $0x9C00;
	_ =	swait.ge [sflag:s12], $0x4000  }
.Ltmp0:
0x65: {  	[sflag:s12] =	ssyncset.done $0x0;
	(pc) =	sbr.rel @p0 .LBB2_2-.Ltmp0, $4  }
0x66: {  	[sflag:s12] =	ssyncadd.s32 $0xFFFFC000  }
0x67: {  	[spmem:s13] =	stream.indirect.scatter.add.f32 [tilespmem:s10], [sflag:$0x2], $0x80, s15, s9, $0xb8;
	[tilespmem:$0x1EC00] =	vst v63  }
0x68: {  	_ =	swait.ge [sflag:s8], $0x4000  }
0x69: {  	s16 =	smov.u32 s21;
	s15 =	sshra.s32 s20, $0x2;
	[sflag:s8] =	ssyncset.done $0x0  }
0x6a: {  	s16 =	sadd.s32 $0x2800, s15;
	[sflag:s8] =	ssyncadd.s32 $0xFFFFC000  }
0x6b: {  	[tilespmem:s10], [sflag:$0x1] =	stream.indirect.gather [hbm4b:s1+s9], $0x80, s16, s9, $0xb8;
	[tilespmem:$0x1EC00] =	vst v63  }
0x6c: {  	_ =	swait.ge [sflag:s12], $0x4000  }
0x6d: {  	[sflag:s12] =	ssyncset.done $0x0  }
0x6e: {  	[sflag:s12] =	ssyncadd.s32 $0xFFFFC000  }
0x6f: {  	[spmem:s13] =	stream.indirect.scatter.add.f32 [tilespmem:s10], [sflag:$0x2], $0x80, s15, s9, $0xb8;
	[tilespmem:$0x1EC00] =	vst v63  }
0x70: {  	_ =	swait.ge [sflag:s8], $0x4000  }
0x71: {  	[sflag:s8] =	ssyncset.done $0x0  }
0x72: {  	[sflag:s8] =	ssyncadd.s32 $0xFFFFC000  }
0x73: {  	[bflag:$0x0] =	sbarrier.arrive $0xFFFF  }
0x74: {  	[tilespmem:s7], [sflag:$0x2] =	stream.linear.gather [spmem:s17], $0x2000, $0x38;
	[tilespmem:$0x1EC00] =	vst v63  }
0x75: {  	_ =	swait.ge [sflag:s8], $0x2000  }
0x76: {  	[sflag:s8] =	ssyncset.done $0x0  }
0x77: {  	s16 =	rddreg [dreg:$0x6];
	[sflag:s8] =	ssyncadd.s32 $0xFFFFE000  }
0x78: {  	[hbm4b:s16+s2] =	stream.linear.scatter [tilespmem:s7], [sflag:$0x2], $0x2000, $0x38;
	[tilespmem:$0x1EC00] =	vst v63  }
0x79: {  	_ =	swait.ge [sflag:s8], $0x2000  }
0x7a: {  	[sflag:s8] =	ssyncset.done $0x0  }
0x7b: {  	s19 =	rddreg [dreg:$0x13];
	[sflag:s8] =	ssyncadd.s32 $0xFFFFE000  }
0x7c: {  	[tilespmem:s7], [sflag:$0x2] =	stream.linear.gather [spmem:s19], $0x2000, $0x38;
	[tilespmem:$0x1EC00] =	vst v63  }
0x7d: {  	_ =	swait.ge [sflag:s8], $0x2000  }
0x7e: {  	[sflag:s8] =	ssyncset.done $0x0  }
0x7f: {  	s20 =	rddreg [dreg:$0x7];
	[sflag:s8] =	ssyncadd.s32 $0xFFFFE000  }
0x80: {  	[hbm4b:s20+s2] =	stream.linear.scatter [tilespmem:s7], [sflag:$0x2], $0x2000, $0x38;
	[tilespmem:$0x1EC00] =	vst v63  }
0x81: {  	_ =	swait.ge [sflag:s8], $0x2000  }
0x82: {  	[sflag:s8] =	ssyncset.done $0x0  }
0x83: {  	[sflag:s8] =	ssyncadd.s32 $0xFFFFE000  }
0x84: {  	[tilespmem:s7], [sflag:$0x2] =	stream.linear.gather [spmem:s22], $0x2000, $0x38;
	[tilespmem:$0x1EC00] =	vst v63  }
0x85: {  	_ =	swait.ge [sflag:s8], $0x2000  }
0x86: {  	[sflag:s8] =	ssyncset.done $0x0  }
0x87: {  	s21 =	rddreg [dreg:$0x8];
	[sflag:s8] =	ssyncadd.s32 $0xFFFFE000  }
0x88: {  	[hbm4b:s21+s2] =	stream.linear.scatter [tilespmem:s7], [sflag:$0x2], $0x2000, $0x38;
	[tilespmem:$0x1EC00] =	vst v63  }
0x89: {  	_ =	swait.ge [sflag:s8], $0x2000  }
0x8a: {  	[sflag:s8] =	ssyncset.done $0x0  }
0x8b: {  	[sflag:s8] =	ssyncadd.s32 $0xFFFFE000  }
0x8c: {  	[tilespmem:s7], [sflag:$0x2] =	stream.linear.gather [spmem:s23], $0x2000, $0x38;
	[tilespmem:$0x1EC00] =	vst v63  }
0x8d: {  	_ =	swait.ge [sflag:s8], $0x2000  }
0x8e: {  	[sflag:s8] =	ssyncset.done $0x0  }
0x8f: {  	s16 =	rddreg [dreg:$0x9];
	[sflag:s8] =	ssyncadd.s32 $0xFFFFE000  }
0x90: {  	[hbm4b:s16+s2] =	stream.linear.scatter [tilespmem:s7], [sflag:$0x2], $0x2000, $0x38;
	[tilespmem:$0x1EC00] =	vst v63  }
0x91: {  	_ =	swait.ge [sflag:s8], $0x2000  }
0x92: {  	[sflag:s8] =	ssyncset.done $0x0  }
0x93: {  	[sflag:s8] =	ssyncadd.s32 $0xFFFFE000  }
0x94: {  	[tilespmem:s7], [sflag:$0x2] =	stream.linear.gather [spmem:s24], $0x2000, $0x38;
	[tilespmem:$0x1EC00] =	vst v63  }
0x95: {  	_ =	swait.ge [sflag:s8], $0x2000  }
0x96: {  	[sflag:s8] =	ssyncset.done $0x0  }
0x97: {  	s19 =	rddreg [dreg:$0xa];
	[sflag:s8] =	ssyncadd.s32 $0xFFFFE000  }
0x98: {  	[hbm4b:s19+s2] =	stream.linear.scatter [tilespmem:s7], [sflag:$0x2], $0x2000, $0x38;
	[tilespmem:$0x1EC00] =	vst v63  }
0x99: {  	_ =	swait.ge [sflag:s8], $0x2000  }
0x9a: {  	[sflag:s8] =	ssyncset.done $0x0  }
0x9b: {  	[sflag:s8] =	ssyncadd.s32 $0xFFFFE000  }
0x9c: {  	[tilespmem:s7], [sflag:$0x2] =	stream.linear.gather [spmem:s25], $0x2000, $0x38;
	[tilespmem:$0x1EC00] =	vst v63  }
0x9d: {  	_ =	swait.ge [sflag:s8], $0x2000  }
0x9e: {  	[sflag:s8] =	ssyncset.done $0x0  }
0x9f: {  	s20 =	rddreg [dreg:$0xb];
	[sflag:s8] =	ssyncadd.s32 $0xFFFFE000  }
0xa0: {  	[hbm4b:s20+s2] =	stream.linear.scatter [tilespmem:s7], [sflag:$0x2], $0x2000, $0x38;
	[tilespmem:$0x1EC00] =	vst v63  }
0xa1: {  	_ =	swait.ge [sflag:s8], $0x2000  }
0xa2: {  	[sflag:s8] =	ssyncset.done $0x0  }
0xa3: {  	[sflag:s8] =	ssyncadd.s32 $0xFFFFE000  }
0xa4: {  	[tilespmem:s7], [sflag:$0x2] =	stream.linear.gather [spmem:s26], $0x2000, $0x38;
	[tilespmem:$0x1EC00] =	vst v63  }
0xa5: {  	_ =	swait.ge [sflag:s8], $0x2000  }
0xa6: {  	[sflag:s8] =	ssyncset.done $0x0  }
0xa7: {  	s21 =	rddreg [dreg:$0xc];
	[sflag:s8] =	ssyncadd.s32 $0xFFFFE000  }
0xa8: {  	[hbm4b:s21+s2] =	stream.linear.scatter [tilespmem:s7], [sflag:$0x2], $0x2000, $0x38;
	[tilespmem:$0x1EC00] =	vst v63  }
0xa9: {  	_ =	swait.ge [sflag:s8], $0x2000  }
0xaa: {  	[sflag:s8] =	ssyncset.done $0x0  }
0xab: {  	[sflag:s8] =	ssyncadd.s32 $0xFFFFE000  }
0xac: {  	[tilespmem:s7], [sflag:$0x2] =	stream.linear.gather [spmem:s28], $0x2000, $0x38;
	[tilespmem:$0x1EC00] =	vst v63  }
0xad: {  	_ =	swait.ge [sflag:s8], $0x2000  }
0xae: {  	[sflag:s8] =	ssyncset.done $0x0  }
0xaf: {  	s16 =	rddreg [dreg:$0xd];
	[sflag:s8] =	ssyncadd.s32 $0xFFFFE000  }
0xb0: {  	[hbm4b:s16+s2] =	stream.linear.scatter [tilespmem:s7], [sflag:$0x2], $0x2000, $0x38;
	[tilespmem:$0x1EC00] =	vst v63  }
0xb1: {  	_ =	swait.ge [sflag:s8], $0x2000  }
0xb2: {  	[sflag:s8] =	ssyncset.done $0x0  }
0xb3: {  	[sflag:s8] =	ssyncadd.s32 $0xFFFFE000  }
0xb4: {  	[tilespmem:s7], [sflag:$0x2] =	stream.linear.gather [spmem:s29], $0x2000, $0x38;
	[tilespmem:$0x1EC00] =	vst v63  }
0xb5: {  	_ =	swait.ge [sflag:s8], $0x2000  }
0xb6: {  	[sflag:s8] =	ssyncset.done $0x0  }
0xb7: {  	s19 =	rddreg [dreg:$0xe];
	[sflag:s8] =	ssyncadd.s32 $0xFFFFE000  }
0xb8: {  	[hbm4b:s19+s2] =	stream.linear.scatter [tilespmem:s7], [sflag:$0x2], $0x2000, $0x38;
	[tilespmem:$0x1EC00] =	vst v63  }
0xb9: {  	_ =	swait.ge [sflag:s8], $0x2000  }
0xba: {  	[sflag:s8] =	ssyncset.done $0x0  }
0xbb: {  	[sflag:s8] =	ssyncadd.s32 $0xFFFFE000  }
0xbc: {  	[tilespmem:s7], [sflag:$0x2] =	stream.linear.gather [spmem:s18], $0x1C00, $0x38;
	[tilespmem:$0x1EC00] =	vst v63  }
0xbd: {  	_ =	swait.ge [sflag:s8], $0x1C00  }
0xbe: {  	[sflag:s8] =	ssyncset.done $0x0  }
0xbf: {  	s20 =	rddreg [dreg:$0x5];
	[sflag:s8] =	ssyncadd.s32 $0xFFFFE400  }
0xc0: {  	[hbm4b:s20+s2] =	stream.linear.scatter [tilespmem:s7], [sflag:$0x2], $0x1C00, $0x38;
	[tilespmem:$0x1EC00] =	vst v63  }
0xc1: {  	_ =	swait.ge [sflag:s8], $0x1C00  }
0xc2: {  	s14 =	sadd.s32 $0x1, s14;
	s21 =	rddreg [dreg:$0x12]  }
0xc3: {  	p0 =	sne.s32 s14, s21  }
.Ltmp1:
0xc4: {  	_ = 	snop;
	(pc) =	sbr.rel @p0 .LBB2_1-.Ltmp1, $3  }
0xc5: {  	_ =	sdelay $0x1  }
0xc6: {  	[sflag:s8] =	ssyncset.done $0x0  }
0xc7: {  	[sflag:s8] =	ssyncadd.s32 $0xFFFFE400  }
0xc8: {  	_ =	sfence.sel $0x180000  }
0xc9: {  	[bflag:$0x0] =	sbarrier.arrive $0xFFFF  }
0xca: {  	_ =	strace $0x90000047  }
0xcb: {  	s0 =	stileid.u32;
	[bflag:$0x2] =	sbarrier.arrive $0xFFFF  }
0xcc: {  	p0 =	sne.s32 s0, $0x0;
	s0 =	rddreg [dreg:$0x4]  }
0xcd: {  	s0 =	sadd.s32 @!p0 $0x100000, s0  }
0xce: {  	[sflag:s0] =	ssyncadd.tile.s32 @!p0 $0x1;
	_ =	shalt  }
.Lfunc_end2:
_tile_overlayer_lowered:
.L_overlay_start_2:
0xcf: {  	(tag) =	ssettag $0x2  }
0xd0: {  	s0 =	rddreg [dreg:$0x0];
	s2 =	stileid.u32  }
0xd1: {  	s1 =	rddreg [dreg:$0x1];
	p0 =	sne.s32 s2, $0x0  }
0xd2: {  	s3 =	rddreg [dreg:$0x2];
	[bflag:$0x3] =	sbarrier.arrive $0xFFFF;
	s2 =	simm.s32 @!p0 $0x1C02  }
0xd3: {  	[timem:s3], [sflag:s2] =	dma.local @!p0 [hbm:s0], s1  }
0xd4: {  	s0 =	simm.s32 @!p0 $0x2  }
0xd5: {  	_ =	swait.ge @!p0 [sflag:s0], s1  }
0xd6: {  	s1 =	ssub.s32 @!p0 $0x0, s1;
	[sflag:s0] =	ssyncset.done @!p0 $0x0  }
0xd7: {  	[sflag:s0] =	ssyncadd.s32 @!p0 s1  }
0xd8: {  	[bflag:$0x3] =	sbarrier.arrive $0xFFFF  }
0xd9: {  	_ =	shalt  }

</sc_bundles>
